<compile_context>
chip_gen: v7x
topology: tpu7x:2x2x1
jax: 0.10.2.dev20260603
libtpu: 0.0.44.dev20260713+nightly
codegen_flags: <defaults>
</compile_context>

<pallas_src>
import functools

import jax
import jax.numpy as jnp
from jax import lax
from jax.experimental import pallas as pl
from jax.experimental.pallas import tpu as pltpu
from jax.experimental.pallas import tpu_sc as plsc

B, N, D = 4, 2048, 1024
TILE = 256
NT = N // TILE
EPS = 1e-8
CHUNK = 64


def _sim_argmax_body(c1_ref, c2_ref, avg_ref, idx_ref):
    b = pl.program_id(0)
    t = pl.program_id(1)
    c1 = c1_ref[0]
    c2 = c2_ref[0]
    n2 = jnp.maximum(jnp.sqrt(jnp.sum(c2 * c2, axis=1)), EPS)
    dots = lax.dot_general(c1, c2, (((1,), (1,)), ((), ())),
                           preferred_element_type=jnp.float32)
    sim = dots / n2[None, :]
    mx = jnp.max(sim, axis=1, keepdims=True)
    ii = lax.broadcasted_iota(jnp.int32, sim.shape, 1)
    am = jnp.min(jnp.where(sim == mx, ii, N), axis=1)
    idx_ref[0, 0, 0, :] = am + b * N
    avg_ref[0] = (c1 + c2_ref[0, pl.ds(t * TILE, TILE), :]) * 0.5


def _sim_argmax(clip1, clip2, interpret=False):
    return pl.pallas_call(
        _sim_argmax_body,
        grid=(B, NT),
        in_specs=[
            pl.BlockSpec((1, TILE, D), lambda b, t: (b, t, 0)),
            pl.BlockSpec((1, N, D), lambda b, t: (b, 0, 0)),
        ],
        out_specs=[
            pl.BlockSpec((1, TILE, D), lambda b, t: (b, t, 0)),
            pl.BlockSpec((1, 1, 1, TILE), lambda b, t: (b, t, 0, 0)),
        ],
        out_shape=[
            jax.ShapeDtypeStruct((B, N, D), jnp.float32),
            jax.ShapeDtypeStruct((B, NT, 1, TILE), jnp.int32),
        ],
        interpret=interpret,
    )(clip1, clip2)


@functools.cache
def _gather_rows_kernel():
    info = plsc.get_sparse_core_info()
    nc, ns = info.num_cores, info.num_subcores
    nw = nc * ns
    rows = B * N
    rpw = rows // nw
    mesh = plsc.VectorSubcoreMesh(core_axis_name="c", subcore_axis_name="s")

    @functools.partial(
        pl.kernel,
        mesh=mesh,
        out_type=jax.ShapeDtypeStruct((rows, D), jnp.float32),
        scratch_types=[
            pltpu.VMEM((rpw,), jnp.int32),
            pltpu.VMEM((CHUNK, D), jnp.float32),
            pltpu.SemaphoreType.DMA,
        ],
    )
    def gather(avg_hbm, idx_hbm, out_hbm, idx_v, rows_v, sem):
        wid = lax.axis_index("s") * nc + lax.axis_index("c")
        base = wid * rpw
        pltpu.sync_copy(idx_hbm.at[pl.ds(base, rpw)], idx_v)

        def body(c, carry):
            pltpu.async_copy(
                avg_hbm.at[idx_v.at[pl.ds(c * CHUNK, CHUNK)]], rows_v, sem
            ).wait()
            pltpu.sync_copy(rows_v, out_hbm.at[pl.ds(base + c * CHUNK, CHUNK)])
            return carry

        lax.fori_loop(0, rpw // CHUNK, body, 0)

    return gather


def kernel(clip1_embeddings, clip2_embeddings):
    avg, idx = _sim_argmax(clip1_embeddings, clip2_embeddings)
    merged = _gather_rows_kernel()(avg.reshape(B * N, D), idx.reshape(B * N))
    return merged.reshape(B, N, D)

# --- scband reference (transcript-rebuilt; emitter-appended) ---
"""Pipeline reference for scband-cross-clip-merging-12266426598092 (READ-ONLY COPY).

The authoritative reference and input builder live on the scoring server;
editing this copy changes nothing except your own understanding.
"""

import jax, jax.numpy as jnp
import numpy as np

MERGE_RATIO = 0.5

def setup_inputs(seed: int = 0) -> dict:
    key = jax.random.key(seed)
    k1, k2 = jax.random.split(key)
    clip1 = jax.random.normal(k1, (4, 2048, 1024), dtype=jnp.float32)
    clip2 = jax.random.normal(k2, (4, 2048, 1024), dtype=jnp.float32)
    return {"clip1_embeddings": clip1, "clip2_embeddings": clip2}

def reference(clip1_embeddings, clip2_embeddings):
    eps = 1e-8
    # F.cosine_similarity(a.unsqueeze(2), b.unsqueeze(1), dim=-1)
    n1 = jnp.maximum(jnp.linalg.norm(clip1_embeddings, axis=-1), eps)
    n2 = jnp.maximum(jnp.linalg.norm(clip2_embeddings, axis=-1), eps)
    dots = jnp.einsum('bnd,bmd->bnm', clip1_embeddings, clip2_embeddings)
    similarity_matrix = dots / (n1[:, :, None] * n2[:, None, :])
    num_tokens = clip1_embeddings.shape[1]
    num_tokens_to_keep = int(num_tokens * MERGE_RATIO)
    _, top_indices = jax.lax.top_k(similarity_matrix, num_tokens_to_keep)
    top_indices = top_indices[:, :, 0]
    idx = top_indices[:, :, None]
    selected_clip1 = jnp.take_along_axis(clip1_embeddings, idx, axis=1)
    selected_clip2 = jnp.take_along_axis(clip2_embeddings, idx, axis=1)
    merged_clip_embeddings = (selected_clip1 + selected_clip2) / 2
    return merged_clip_embeddings

if __name__ == "__main__":
    import jax
    _d = setup_inputs()
    print(jax.jit(kernel)(*tuple(_d.values())))

</pallas_src>

<mosaic_0001>
#map = affine_map<(d0, d1) -> (0, 0)>
#map1 = affine_map<(d0, d1) -> (0)>
module attributes {stable_mosaic.version = 14 : i64} {
  func.func @gather(%arg0: i32, %arg1: i32, %arg2: memref<8192x1024xf32, #tpu.memory_space<hbm>>, %arg3: memref<8192xi32, #tpu.memory_space<hbm>>, %arg4: memref<8192x1024xf32, #tpu.memory_space<hbm>>, %arg5: memref<256xi32, #tpu.memory_space<vmem>>, %arg6: memref<64x1024xf32, #tpu.memory_space<vmem>>, %arg7: memref<!tpu.dma_semaphore, #tpu.memory_space<semaphore_mem>>) attributes {dimension_semantics = [#tpu.dimension_semantics<core_parallel>, #tpu.dimension_semantics<subcore_parallel>], iteration_bounds = array<i64: 2, 16>, scalar_prefetch = 0 : i64, scratch_operands = 3 : i64, tpu.core_type = #tpu.core_type<sc_vector_subcore>, window_params = [{transform_indices = #map}, {transform_indices = #map1}, {transform_indices = #map}]} {
    %mul3A = arith.constant 2 : i32
    %mul3A_0 = arith.muli %arg1, %mul3A : i32
    %add3A = arith.addi %mul3A_0, %arg0 : i32
    %mul3A_1 = arith.constant 256 : i32
    %mul3A_2 = arith.muli %add3A, %mul3A_1 : i32
    "tpu.region"() ({
      %run_scoped3A = tpu.sem_alloc : memref<!tpu.dma_semaphore, #tpu.memory_space<semaphore_mem>>
      %dma_start3A = tpu.memref_slice %arg3[%mul3A_2] : memref<8192xi32, #tpu.memory_space<hbm>> -> memref<256xi32, #tpu.memory_space<hbm>>
      %dma_start3A_8 = tpu.memref_slice %arg3[%mul3A_2] : memref<8192xi32, #tpu.memory_space<hbm>> -> memref<256xi32, #tpu.memory_space<hbm>>
      tpu.enqueue_dma source(%dma_start3A_8 : memref<256xi32, #tpu.memory_space<hbm>>) target(%arg5 : memref<256xi32, #tpu.memory_space<vmem>>) target_semaphore(%run_scoped3A : memref<!tpu.dma_semaphore, #tpu.memory_space<semaphore_mem>>)
      %dma_wait3A = tpu.memref_slice %arg3[%mul3A_2] : memref<8192xi32, #tpu.memory_space<hbm>> -> memref<256xi32, #tpu.memory_space<hbm>>
      %dma_wait3A_9 = tpu.memref_slice %arg3[%mul3A_2] : memref<8192xi32, #tpu.memory_space<hbm>> -> memref<256xi32, #tpu.memory_space<hbm>>
      tpu.wait_dma2 semaphore(%run_scoped3A : memref<!tpu.dma_semaphore, #tpu.memory_space<semaphore_mem>>) src(%dma_wait3A_9 : memref<256xi32, #tpu.memory_space<hbm>>) dst(%arg5 : memref<256xi32, #tpu.memory_space<vmem>>)
      tpu.yield
    }) : () -> ()
    %scan3A = arith.constant 0 : i32
    %scan3A_3 = arith.constant 0 : i32
    %scan3A_4 = arith.constant 4 : i32
    %scan3A_5 = arith.addi %scan3A_3, %scan3A_4 : i32
    %scan3A_6 = arith.constant 1 : i32
    scf.for %scan3A_8 = %scan3A_3 to %scan3A_5 step %scan3A_6  : i32 {
      %mul3A_9 = arith.constant 64 : i32
      %mul3A_10 = arith.muli %scan3A_8, %mul3A_9 : i32
      %dma_start3A = tpu.memref_slice %arg5[%mul3A_10] : memref<256xi32, #tpu.memory_space<vmem>> -> memref<64xi32, #tpu.memory_space<vmem>>
      %dma_start3A_11 = arith.constant 0 : i32
      %dma_start3A_12 = arith.constant 0 : i32
      %dma_start3A_13 = tpu.memref_slice %arg2[%dma_start3A_11, %dma_start3A_12] : memref<8192x1024xf32, #tpu.memory_space<hbm>> -> memref<8192x1024xf32, #tpu.memory_space<hbm>>
      tpu.enqueue_indirect_dma source(%dma_start3A_13 : memref<8192x1024xf32, #tpu.memory_space<hbm>>) target(%arg6 : memref<64x1024xf32, #tpu.memory_space<vmem>>) offsets(%dma_start3A : memref<64xi32, #tpu.memory_space<vmem>>) semaphore(%arg7 : memref<!tpu.dma_semaphore, #tpu.memory_space<semaphore_mem>>)
      %dma_wait3A = tpu.memref_slice %arg5[%mul3A_10] : memref<256xi32, #tpu.memory_space<vmem>> -> memref<64xi32, #tpu.memory_space<vmem>>
      %dma_wait3A_14 = arith.constant 0 : i32
      %dma_wait3A_15 = arith.constant 0 : i32
      %dma_wait3A_16 = tpu.memref_slice %arg2[%dma_wait3A_14, %dma_wait3A_15] : memref<8192x1024xf32, #tpu.memory_space<hbm>> -> memref<8192x1024xf32, #tpu.memory_space<hbm>>
      tpu.wait_indirect_dma semaphore(%arg7 : memref<!tpu.dma_semaphore, #tpu.memory_space<semaphore_mem>>) src(%dma_wait3A_16 : memref<8192x1024xf32, #tpu.memory_space<hbm>>) dst(%arg6 : memref<64x1024xf32, #tpu.memory_space<vmem>>)
      %mul3A_17 = arith.constant 64 : i32
      %mul3A_18 = arith.muli %scan3A_8, %mul3A_17 : i32
      %add3A_19 = arith.addi %mul3A_2, %mul3A_18 : i32
      "tpu.region"() ({
        %run_scoped3A = tpu.sem_alloc : memref<!tpu.dma_semaphore, #tpu.memory_space<semaphore_mem>>
        %dma_start3A_20 = arith.constant 0 : i32
        %dma_start3A_21 = tpu.memref_slice %arg4[%add3A_19, %dma_start3A_20] : memref<8192x1024xf32, #tpu.memory_space<hbm>> -> memref<64x1024xf32, #tpu.memory_space<hbm>>
        %dma_start3A_22 = arith.constant 0 : i32
        %dma_start3A_23 = tpu.memref_slice %arg4[%add3A_19, %dma_start3A_22] : memref<8192x1024xf32, #tpu.memory_space<hbm>> -> memref<64x1024xf32, #tpu.memory_space<hbm>>
        tpu.enqueue_dma source(%arg6 : memref<64x1024xf32, #tpu.memory_space<vmem>>) target(%dma_start3A_23 : memref<64x1024xf32, #tpu.memory_space<hbm>>) target_semaphore(%run_scoped3A : memref<!tpu.dma_semaphore, #tpu.memory_space<semaphore_mem>>)
        %dma_wait3A_24 = arith.constant 0 : i32
        %dma_wait3A_25 = tpu.memref_slice %arg4[%add3A_19, %dma_wait3A_24] : memref<8192x1024xf32, #tpu.memory_space<hbm>> -> memref<64x1024xf32, #tpu.memory_space<hbm>>
        %dma_wait3A_26 = arith.constant 0 : i32
        %dma_wait3A_27 = tpu.memref_slice %arg4[%add3A_19, %dma_wait3A_26] : memref<8192x1024xf32, #tpu.memory_space<hbm>> -> memref<64x1024xf32, #tpu.memory_space<hbm>>
        tpu.wait_dma2 semaphore(%run_scoped3A : memref<!tpu.dma_semaphore, #tpu.memory_space<semaphore_mem>>) src(%arg6 : memref<64x1024xf32, #tpu.memory_space<vmem>>) dst(%dma_wait3A_27 : memref<64x1024xf32, #tpu.memory_space<hbm>>)
        tpu.yield
      }) : () -> ()
    }
    %scan3A_7 = arith.constant 4 : i32
    return
  }
}

module attributes {stable_mosaic.version = 14 : i64} {
  func.func @_sim_argmax_body(%arg0: i32, %arg1: i32, %arg2: memref<1x256x1024xf32, #tpu.memory_space<vmem>>, %arg3: memref<1x2048x1024xf32, #tpu.memory_space<vmem>>, %arg4: memref<1x256x1024xf32, #tpu.memory_space<vmem>>, %arg5: memref<1x1x1x256xi32, #tpu.memory_space<vmem>>) attributes {dimension_semantics = [#tpu.dimension_semantics<arbitrary>, #tpu.dimension_semantics<arbitrary>], iteration_bounds = array<i64: 4, 8>, scalar_prefetch = 0 : i64, scratch_operands = 0 : i64, tpu.core_type = #tpu.core_type<tc>, window_params = [{transform_indices = @transform_0, window_bounds = array<i64: 1, 256, 1024>}, {transform_indices = @transform_1, window_bounds = array<i64: 1, 2048, 1024>}, {transform_indices = @transform_2, window_bounds = array<i64: 1, 256, 1024>}, {transform_indices = @transform_3, window_bounds = array<i64: 1, 1, 1, 256>}]} {
    %get3A = arith.constant 0 : index
    %get3A_0 = arith.constant 0 : index
    %get3A_1 = arith.constant 0 : index
    %get3A_2 = vector.load %arg2[%get3A, %get3A_0, %get3A_1] : memref<1x256x1024xf32, #tpu.memory_space<vmem>>, vector<1x256x1024xf32>
    %get3A_3 = vector.shape_cast %get3A_2 : vector<1x256x1024xf32> to vector<256x1024xf32>
    %get3A_4 = arith.constant 0 : index
    %get3A_5 = arith.constant 0 : index
    %get3A_6 = arith.constant 0 : index
    %get3A_7 = vector.load %arg3[%get3A_4, %get3A_5, %get3A_6] : memref<1x2048x1024xf32, #tpu.memory_space<vmem>>, vector<1x2048x1024xf32>
    %get3A_8 = vector.shape_cast %get3A_7 : vector<1x2048x1024xf32> to vector<2048x1024xf32>
    %mul3A = arith.mulf %get3A_8, %get3A_8 : vector<2048x1024xf32>
    %reduce_sum3A = arith.constant dense<0.000000e+00> : vector<2048xf32>
    %reduce_sum3A_9 = vector.multi_reduction <add>, %mul3A, %reduce_sum3A [1] : vector<2048x1024xf32> to vector<2048xf32>
    %sqrt3A = math.sqrt %reduce_sum3A_9 : vector<2048xf32>
    %max3A = arith.constant 9.99999993E-9 : f32
    %max3A_10 = vector.broadcast %max3A : f32 to vector<2048xf32>
    %max3A_11 = arith.maximumf %sqrt3A, %max3A_10 : vector<2048xf32>
    %dot_general3A = arith.constant dense<0.000000e+00> : vector<256x2048xf32>
    %dot_general3A_12 = tpu.matmul %get3A_3, %get3A_8, %dot_general3A {dimension_numbers = #tpu.dot_dimension_numbers<[1], [1], [0], [0], [0, 0, 1, 0], [], []>, transpose_lhs_hint = false} : vector<256x1024xf32>, vector<2048x1024xf32>, vector<256x2048xf32> -> vector<256x2048xf32>
    %broadcast_in_dim3A = vector.shape_cast %max3A_11 : vector<2048xf32> to vector<1x2048xf32>
    %div3A = vector.broadcast %broadcast_in_dim3A : vector<1x2048xf32> to vector<256x2048xf32>
    %div3A_13 = arith.divf %dot_general3A_12, %div3A : vector<256x2048xf32>
    %reduce_max3A = arith.constant dense<0xFF800000> : vector<256xf32>
    %reduce_max3A_14 = vector.multi_reduction <maximumf>, %div3A_13, %reduce_max3A [1] : vector<256x2048xf32> to vector<256xf32>
    %broadcast_in_dim3A_15 = vector.shape_cast %reduce_max3A_14 : vector<256xf32> to vector<256x1xf32>
    %iota3A = tpu.iota {dimensions = array<i32: 1>} : vector<256x2048xi32>
    %eq3A = vector.broadcast %broadcast_in_dim3A_15 : vector<256x1xf32> to vector<256x2048xf32>
    %eq3A_16 = arith.cmpf oeq, %div3A_13, %eq3A : vector<256x2048xf32>
    %jit3A = arith.constant 2048 : i32
    %broadcast_in_dim3A_17 = vector.broadcast %jit3A : i32 to vector<256x2048xi32>
    %select_n3A = arith.select %eq3A_16, %iota3A, %broadcast_in_dim3A_17 : vector<256x2048xi1>, vector<256x2048xi32>
    %reduce_min3A = arith.constant dense<2147483647> : vector<256xi32>
    %reduce_min3A_18 = vector.multi_reduction <minsi>, %select_n3A, %reduce_min3A [1] : vector<256x2048xi32> to vector<256xi32>
    %mul3A_19 = arith.constant 2048 : i32
    %mul3A_20 = arith.muli %arg0, %mul3A_19 : i32
    %add3A = vector.broadcast %mul3A_20 : i32 to vector<256xi32>
    %add3A_21 = arith.addi %reduce_min3A_18, %add3A : vector<256xi32>
    %swap3A = arith.constant 0 : index
    %swap3A_22 = arith.constant 0 : index
    %swap3A_23 = arith.constant 0 : index
    %swap3A_24 = arith.constant 0 : index
    %swap3A_25 = vector.load %arg5[%swap3A, %swap3A_22, %swap3A_23, %swap3A_24] : memref<1x1x1x256xi32, #tpu.memory_space<vmem>>, vector<1x1x1x256xi32>
    %swap3A_26 = vector.shape_cast %swap3A_25 : vector<1x1x1x256xi32> to vector<256xi32>
    %swap3A_27 = vector.shape_cast %add3A_21 : vector<256xi32> to vector<1x1x1x256xi32>
    tpu.vector_store %arg5[%swap3A, %swap3A_22, %swap3A_23, %swap3A_24], %swap3A_27 {strides = array<i32>} : memref<1x1x1x256xi32, #tpu.memory_space<vmem>>, vector<1x1x1x256xi32>,
    %mul3A_28 = arith.constant 256 : i32
    %mul3A_29 = arith.muli %arg1, %mul3A_28 : i32
    %get3A_30 = arith.constant 0 : index
    %get3A_31 = arith.index_cast %mul3A_29 : i32 to index
    %get3A_32 = arith.constant 0 : index
    %get3A_33 = vector.load %arg3[%get3A_30, %get3A_31, %get3A_32] : memref<1x2048x1024xf32, #tpu.memory_space<vmem>>, vector<1x256x1024xf32>
    %get3A_34 = vector.shape_cast %get3A_33 : vector<1x256x1024xf32> to vector<256x1024xf32>
    %add3A_35 = arith.addf %get3A_3, %get3A_34 : vector<256x1024xf32>
    %mul3A_36 = arith.constant 5.000000e-01 : f32
    %mul3A_37 = vector.broadcast %mul3A_36 : f32 to vector<256x1024xf32>
    %mul3A_38 = arith.mulf %add3A_35, %mul3A_37 : vector<256x1024xf32>
    %swap3A_39 = arith.constant 0 : index
    %swap3A_40 = arith.constant 0 : index
    %swap3A_41 = arith.constant 0 : index
    %swap3A_42 = vector.load %arg4[%swap3A_39, %swap3A_40, %swap3A_41] : memref<1x256x1024xf32, #tpu.memory_space<vmem>>, vector<1x256x1024xf32>
    %swap3A_43 = vector.shape_cast %swap3A_42 : vector<1x256x1024xf32> to vector<256x1024xf32>
    %swap3A_44 = vector.shape_cast %mul3A_38 : vector<256x1024xf32> to vector<1x256x1024xf32>
    tpu.vector_store %arg4[%swap3A_39, %swap3A_40, %swap3A_41], %swap3A_44 {strides = array<i32>} : memref<1x256x1024xf32, #tpu.memory_space<vmem>>, vector<1x256x1024xf32>,
    return
  }
  func.func @transform_0(%arg0: i32, %arg1: i32) -> (i32, i32, i32) {
    %c0_i32 = arith.constant 0 : i32
    %c0_i32_0 = arith.constant 0 : i32
    return %arg0, %arg1, %c0_i32 : i32, i32, i32
  }
  func.func @transform_1(%arg0: i32, %arg1: i32) -> (i32, i32, i32) {
    %c0_i32 = arith.constant 0 : i32
    %c0_i32_0 = arith.constant 0 : i32
    %c0_i32_1 = arith.constant 0 : i32
    return %arg0, %c0_i32, %c0_i32_0 : i32, i32, i32
  }
  func.func @transform_2(%arg0: i32, %arg1: i32) -> (i32, i32, i32) {
    %c0_i32 = arith.constant 0 : i32
    %c0_i32_0 = arith.constant 0 : i32
    return %arg0, %arg1, %c0_i32 : i32, i32, i32
  }
  func.func @transform_3(%arg0: i32, %arg1: i32) -> (i32, i32, i32, i32) {
    %c0_i32 = arith.constant 0 : i32
    %c0_i32_0 = arith.constant 0 : i32
    %c0_i32_1 = arith.constant 0 : i32
    return %arg0, %arg1, %c0_i32, %c0_i32_0 : i32, i32, i32, i32
  }
}

</mosaic_0001>

<sc_bundles>
// kernel: kernel.4.cloned.1.call-start
scs
__scs_entry_jumppad:
0x0: {  	(pc) =	sbr.rel $0x88, $3  }
0x1: {  	(tag) =	ssettag $0x0;
	lr =	simm.s32 $0x1  }
0x2: {  	[smem:$0x3F9F] =	sst lr;
	_ =	strace $0xD0000000  }
0x3: {  	_ = 	snop  }
0x4: {  	_ = 	snop  }
0x5: {  	_ = 	snop  }
0x6: {  	_ = 	snop  }
0x7: {  	_ = 	snop  }
__scs_overlays_trampoline_lowered:
0x8: {  	[smem:$0x3FAE] =	sst s0  }
0x9: {  	[smem:$0x3FAF] =	sst s1  }
0xa: {  	[smem:$0x3FB0] =	sst s2  }
0xb: {  	[smem:$0x3FB1] =	sst s3  }
0xc: {  	[smem:$0x3FB2] =	sst s4  }
0xd: {  	[smem:$0x3FB3] =	sst s5  }
0xe: {  	[smem:$0x3FB4] =	sst s6  }
0xf: {  	[smem:$0x3FB5] =	sst s7  }
0x10: {  	[smem:$0x3FB6] =	sst s8  }
0x11: {  	[smem:$0x3FB7] =	sst s9;
	s0 =	simm.s32 @!p0 $0x0  }
0x12: {  	s1 =	sld [smem:$0x3F9D];
	s0 =	simm.s32 @p0 $0x1  }
0x13: {  	[smem:$0x3FB8] =	sst s0;
	s0 =	simm.s32 @!p1 $0x0  }
0x14: {  	s2 =	sld [smem:$0x3F9C];
	s0 =	simm.s32 @p1 $0x1  }
0x15: {  	[smem:$0x3FB9] =	sst s0;
	s0 =	simm.s32 @!p2 $0x0  }
0x16: {  	s3 =	sld [smem:$0x3FDB];
	s0 =	simm.s32 @p2 $0x1  }
0x17: {  	s4 =	simm.s32 $0x1BF5;
	[smem:$0x3FBB] =	sst s0  }
0x18: {  	s0 =	sld [smem:$0x3F9E];
	_ =	swait.ge [sflag:s4], $0x0  }
0x19: {  	s7 =	sld [smem:$0x3F9F]  }
0x1a: {  	s8 =	sadd.s32 $0xFFFFE003, lr  }
0x1b: {  	s9 =	sadd.s32 $0xFFFFFEF7, lr;
	s5 =	simm.s32 $0xFFFFFFFF;
	p2 =	slt.u32 s8, $0xFFFFF086  }
0x1c: {  	p1 =	slt.u32 s9, $0xF7A;
	s5 =	simm.s32 @!p2 $0x0  }
0x1d: {  	s5 =	simm.s32 @p1 $0x1;
	p0 =	seq.s32 s7, s2  }
0x1e: {  	s7 =	smul.u32 @!p0 $0xF7A, s2;
	p2 =	seq.s32 @!p0 s5, $0x0  }
0x1f: {  	s9 =	smul.u32 $0xF7A, s1;
	s8 =	simm.s32 @!p0 $0x1BF5;
	p2 =	por !p2, p0  }
0x20: {  	[sflag:s8] =	ssyncset.s32 @!p0 $0xFFFFF086;
	s6 =	sadd.s32 @!p0 s3, s7;
	s7 =	simm.s32 @!p0 $0x108  }
0x21: {  	s3 =	sadd.s32 s3, s9;
	s6 =	sadd.s32 @!p0 $0x88, s6;
	s7 =	simm.s32 @p2 $0x1082  }
0x22: {  	[simem:s7], [sflag:s8] =	dma.local @!p0 [hbm:s6], $0xF7A  }
0x23: {  	s9 =	sor.u32 $0xD0000000, s2;
	s6 =	simm.s32 $0x108;
	_ =	swait.ge @!p0 [sflag:s8], $0x0  }
0x24: {  	s3 =	sadd.s32 $0x88, s3;
	s6 =	simm.s32 @!p1 $0x1082;
	[sflag:s4] =	ssyncset.s32 $0xFFFFF086  }
0x25: {  	[simem:s6], [sflag:s4] =	dma.local [hbm:s3], $0xF7A  }
0x26: {  	[smem:$0x3F9F] =	sst s1;
	(tag) =	ssettag s2;
	_ =	strace s9  }
0x27: {  	s1 =	sld [smem:$0x3FAF]  }
0x28: {  	s2 =	sld [smem:$0x3FB0]  }
0x29: {  	s4 =	sld [smem:$0x3FB2]  }
0x2a: {  	p0 =	seq.s32 s5, $0x0;
	s5 =	sld [smem:$0x3FB3]  }
0x2b: {  	s6 =	sld [smem:$0x3FB4]  }
0x2c: {  	s7 =	sld [smem:$0x3FB5]  }
0x2d: {  	s3 =	simm.s32 $0x108;
	s8 =	sld [smem:$0x3FB6]  }
0x2e: {  	s3 =	simm.s32 @!p0 $0x1082;
	s9 =	sld [smem:$0x3FB7]  }
0x2f: {  	lr =	sadd.s32 s0, s3;
	s0 =	sld [smem:$0x3FAE]  }
0x30: {  	s3 =	sld [smem:$0x3FB1]  }
0x31: {  	[smem:$0x3FBA] =	sst s10  }
0x32: {  	s10 =	sld [smem:$0x3FB8];
	_ =	sdelay $0x3  }
0x33: {  	p0 =	seq.s32 s10, $0x1;
	s10 =	sld [smem:$0x3FBA];
	_ =	sdelay $0x3  }
0x34: {  	[smem:$0x3FBA] =	sst s10  }
0x35: {  	s10 =	sld [smem:$0x3FB9];
	_ =	sdelay $0x3  }
0x36: {  	p1 =	seq.s32 s10, $0x1;
	s10 =	sld [smem:$0x3FBA];
	_ =	sdelay $0x3  }
0x37: {  	[smem:$0x3FBA] =	sst s10  }
0x38: {  	s10 =	sld [smem:$0x3FBB]  }
0x39: {  	_ = 	snop;
	(pc) =	sbr.ind lr, $3  }
0x3a: {  	_ = 	snop  }
0x3b: {  	_ = 	snop  }
0x3c: {  	p2 =	seq.s32 s10, $0x1;
	s10 =	sld [smem:$0x3FBA]  }
0x3d: {  	_ =	shalt  }
0x3e: {  	_ =	shalt  }
0x3f: {  	_ =	shalt  }
0x40: {  	_ =	shalt  }
0x41: {  	_ =	shalt  }
0x42: {  	_ =	shalt  }
0x43: {  	_ =	shalt  }
0x44: {  	_ =	shalt  }
0x45: {  	_ =	shalt  }
0x46: {  	_ =	shalt  }
0x47: {  	_ =	shalt  }
0x48: {  	_ =	shalt  }
0x49: {  	_ =	shalt  }
0x4a: {  	_ =	shalt  }
0x4b: {  	_ =	shalt  }
0x4c: {  	_ =	shalt  }
0x4d: {  	_ =	shalt  }
0x4e: {  	_ =	shalt  }
0x4f: {  	_ =	shalt  }
0x50: {  	_ =	shalt  }
0x51: {  	_ =	shalt  }
0x52: {  	_ =	shalt  }
0x53: {  	_ =	shalt  }
0x54: {  	_ =	shalt  }
0x55: {  	_ =	shalt  }
0x56: {  	_ =	shalt  }
0x57: {  	_ =	shalt  }
0x58: {  	_ =	shalt  }
0x59: {  	_ =	shalt  }
0x5a: {  	_ =	shalt  }
0x5b: {  	_ =	shalt  }
0x5c: {  	_ =	shalt  }
0x5d: {  	_ =	shalt  }
0x5e: {  	_ =	shalt  }
0x5f: {  	_ =	shalt  }
0x60: {  	_ =	shalt  }
0x61: {  	_ =	shalt  }
0x62: {  	_ =	shalt  }
0x63: {  	_ =	shalt  }
0x64: {  	_ =	shalt  }
0x65: {  	_ =	shalt  }
0x66: {  	_ =	shalt  }
0x67: {  	_ =	shalt  }
0x68: {  	_ =	shalt  }
0x69: {  	_ =	shalt  }
0x6a: {  	_ =	shalt  }
0x6b: {  	_ =	shalt  }
0x6c: {  	_ =	shalt  }
0x6d: {  	_ =	shalt  }
0x6e: {  	_ =	shalt  }
0x6f: {  	_ =	shalt  }
0x70: {  	_ =	shalt  }
0x71: {  	_ =	shalt  }
0x72: {  	_ =	shalt  }
0x73: {  	_ =	shalt  }
0x74: {  	_ =	shalt  }
0x75: {  	_ =	shalt  }
0x76: {  	_ =	shalt  }
0x77: {  	_ =	shalt  }
0x78: {  	_ =	shalt  }
0x79: {  	_ =	shalt  }
0x7a: {  	_ =	shalt  }
0x7b: {  	_ =	shalt  }
0x7c: {  	_ =	shalt  }
0x7d: {  	_ =	shalt  }
0x7e: {  	_ =	shalt  }
0x7f: {  	_ =	shalt  }
0x80: {  	_ =	shalt  }
0x81: {  	_ =	shalt  }
0x82: {  	_ =	shalt  }
0x83: {  	_ =	shalt  }
0x84: {  	_ =	shalt  }
0x85: {  	_ =	shalt  }
0x86: {  	_ =	shalt  }
0x87: {  	_ =	shalt  }
.Lfunc_end0:
.L_simem_size_0:
called_computation_lowered:
.L_overlay_start_0:
0x88: {  	s2 =	sld [smem:$0x3FD9]  }
0x89: {  	s3 =	sld [smem:$0x3FFE];
	_ =	sdelay $0x1  }
0x8a: {  	s1 =	srdreg.scid  }
0x8b: {  	s0 =	sand.u32 $0x1, s1  }
0x8c: {  	s17 =	sshll.u32 s0, $0xA;
	s2 =	sadd.s32 s3, s2  }
0x8d: {  	s2 =	sadd.s32 s2, s17  }
0x8e: {  	[smem:$0x3FC6] =	sst s2  }
0x8f: {  	_ = 	snop  }
0x90: {  	s2 =	sld [smem:$0x3FD0];
	(tm) =	ssettm $0x1  }
0x91: {  	s18 =	sld [smem:$0x3FFB];
	_ =	sdelay $0x3  }
0x92: {  	_ =	strace s18  }
0x93: {  	s3 =	sld [smem:$0x3FFC];
	_ =	sdelay $0x3  }
0x94: {  	_ =	strace s3  }
0x95: {  	s3 =	sld [smem:$0x3FFD];
	_ =	sdelay $0x3  }
0x96: {  	_ =	strace s3  }
0x97: {  	_ =	strace $0x8FFFFFFF  }
0x98: {  	s19 =	sld [smem:$0x3FDB];
	_ =	sdelay $0x1  }
0x99: {  	s4 =	simm.s32 $_scs_section_size  }
0x9a: {  	s5 =	simm.s32 $_size__tile_overlayer_lowered;
	s6 =	simm.s32 $_tile_overlayer_lowered  }
0x9b: {  	s22 =	simm.s32 $0x1BFF;
	s21 =	sshll.u32 s6, $0x1;
	s3 =	sadd.s32 s4, s19  }
0x9c: {  	s7 =	simm.s32 $0x0;
	s20 =	sshll.u32 s5, $0x1;
	s5 =	sadd.s32 s21, s3  }
0x9d: {  	[timem:s7], [sflag:s22] =	dma.local [hbm:s5], s20  }
0x9e: {  	_ =	swait.ge [sflag:s22], s20  }
0x9f: {  	s4 =	ssub.s32 $0x0, s20;
	[sflag:s22] =	ssyncset.done $0x0  }
0xa0: {  	[sflag:s22] =	ssyncadd.s32 s4;
	_ =	sdelay $0x1  }
0xa1: {  	s23 =	simm.s32 $0x1B8B  }
0xa2: {  	_ =	swait.ge [sflag:s23], $0x1  }
0xa3: {  	[sflag:s23] =	ssyncset.done $0x0  }
0xa4: {  	s25 =	simm.s32 $0x1B8E;
	s24 =	sld [smem:$0x3FFE];
	[sflag:s23] =	ssyncadd.s32 $0xFFFFFFFF  }
0xa5: {  	s26 =	simm.s32 $execute0_lowered;
	[smem:$0x3FD2] =	sst s25  }
0xa6: {  	s5 =	sshll.u32 s26, $0x1;
	_ =	strace $0x80000046;
	[dreg:$0x1] =	wrdreg $0xFFFFFFFF  }
0xa7: {  	s28 =	simm.s32 $_size_execute0_lowered;
	s3 =	sadd.s32 s3, s5;
	[dreg:$0x0] =	wrdreg $0x0  }
0xa8: {  	s5 =	sshll.u32 s28, $0x1;
	[dreg:$0x2] =	wrdreg s3  }
0xa9: {  	[dreg:$0x3] =	wrdreg s5  }
0xaa: {  	[dreg:$0x4] =	wrdreg $0xC0  }
0xab: {  	_ =	task [dreg:s7], $0x5FFFF  }
0xac: {  	[dreg:$0x1] =	wrdreg $0xFFFFFFFF  }
0xad: {  	[dreg:$0x0] =	wrdreg $0x60  }
0xae: {  	[dreg:$0x2] =	wrdreg s24  }
0xaf: {  	[dreg:$0x3] =	wrdreg s2  }
0xb0: {  	[dreg:$0x4] =	wrdreg $0x9  }
0xb1: {  	_ =	task.clear_ibuf [dreg:s7], $0x5FFFF;
	_ =	strace $0x90000046  }
0xb2: {  	s29 =	simm.s32 $0x9;
	_ =	strace $0x80000048  }
0xb3: {  	_ =	swait.ge [sflag:s29], $0x1  }
0xb4: {  	[sflag:s29] =	ssyncadd.s32 $0xFFFFFFFF  }
0xb5: {  	_ =	strace $0x90000048  }
0xb6: {  	_ =	sfence  }
0xb7: {  	s30 =	sld [smem:$0x0];
	_ =	sdelay $0x2  }
0xb8: {  	s31 =	sshll.u32 s1, $0xD;
	s1 =	sshrl.u32 s1, $0x2  }
0xb9: {  	s3 =	sand.u32 $0x4000, s31;
	s1 =	sadd.s32 s1, s30  }
0xba: {  	s0 =	sor.u32 s3, s0;
	s1 =	sshll.u32 s1, $0x11  }
0xbb: {  	s0 =	sor.u32 s1, s0  }
0xbc: {  	s0 =	sadd.s32 $0x8F2B, s0  }
0xbd: {  	[sflag:s0] =	ssyncadd.remote.s32 $0x1  }
0xbe: {  	_ =	sfence.sel $0xFFFF  }
0xbf: {  	[dreg:$0x0] =	wrdreg $0xFFFFFFFF;
	(pc) =	sbr.abs _section_cstart, $3  }
0xc0: {  	[dreg:$0x1] =	wrdreg $0xFFFFFFFF  }
0xc1: {  	_ =	task.clear_ibuf [dreg:s7], $0x2FFFF;
	_ =	strace $0x9FFFFFFF  }
0xc2: {  	(tm) =	ssettm $0x7FFFFFFF  }
0xc3: {  	_ =	shalt  }
tec
execute0_lowered:
.L_overlay_start_1:
0x0: {  	(tag) =	ssettag $0x1  }
0x1: {  	s0 =	rddreg [dreg:$0x0]  }
0x2: {  	s1 =	rddreg [dreg:$0x1]  }
0x3: {  	s2 =	simm.s32 $0x0;
	s3 =	srdreg.scid;
	s6 =	stileid.u32  }
0x4: {  	s11 =	simm.s32 $0x900;
	s12 =	simm.s32 $0x1100;
	[smem:$0x7FF] =	sst s2  }
0x5: {  	s13 =	simm.s32 $0x1900;
	_ =	strace $0x80000047;
	[dreg:$0x4] =	wrdreg s11  }
0x6: {  	s14 =	simm.s32 $0x2100;
	s16 =	simm.s32 $0x2900;
	[dreg:$0x5] =	wrdreg s12  }
0x7: {  	s17 =	simm.s32 $0x3100;
	s19 =	simm.s32 $0x3900;
	[dreg:$0x6] =	wrdreg s13  }
0x8: {  	s20 =	simm.s32 $0x4100;
	s21 =	simm.s32 $0x4900;
	[dreg:$0x7] =	wrdreg s14  }
0x9: {  	s22 =	simm.s32 $0x5100;
	s24 =	simm.s32 $0x5900;
	[dreg:$0x8] =	wrdreg s16  }
0xa: {  	s25 =	simm.s32 $0x6100;
	s26 =	simm.s32 $0x6900;
	[dreg:$0x9] =	wrdreg s17  }
0xb: {  	s28 =	simm.s32 $0xF100;
	s29 =	simm.s32 $0xF900;
	[dreg:$0xa] =	wrdreg s19  }
0xc: {  	s30 =	simm.s32 $0x1;
	s31 =	simm.s32 $0x0;
	[dreg:$0xb] =	wrdreg s20  }
0xd: {  	s4 =	sand.u32 $0x1, s3;
	s5 =	sshll.u32 s6, $0x10;
	[dreg:$0xc] =	wrdreg s21  }
0xe: {  	s3 =	sadd.s32 $0x800, s0;
	s6 =	sshll.u32 s6, $0x9;
	[dreg:$0xd] =	wrdreg s22  }
0xf: {  	s1 =	sadd.s32 s5, s1;
	s9 =	sshll.u32 s4, $0xF;
	[dreg:$0xe] =	wrdreg s24  }
0x10: {  	s7 =	sshll.u32 s4, $0x8;
	s4 =	ssub.s32 $0x2, s4;
	[dreg:$0xf] =	wrdreg s25  }
0x11: {  	[dreg:$0x10] =	wrdreg s26;
	s11 =	simm.s32 $0x7100;
	s12 =	simm.s32 $0x7900  }
0x12: {  	s13 =	simm.s32 $0x8100;
	s14 =	simm.s32 $0x8900;
	s16 =	simm.s32 $0x9900  }
0x13: {  	s17 =	simm.s32 $0xA100;
	s19 =	simm.s32 $0xB100;
	s20 =	simm.s32 $0xB900  }
0x14: {  	s21 =	simm.s32 $0xC100;
	s22 =	simm.s32 $0xC900;
	s24 =	simm.s32 $0xD900  }
0x15: {  	s25 =	simm.s32 $0xE100;
	s26 =	simm.s32 $0xE900;
	s1 =	sadd.s32 s9, s1  }
0x16: {  	s10 =	sor.u32 s7, s6;
	s15 =	sshrl.u32 s4, $0x1;
	s6 =	sadd.s32 $0xA00, s0  }
0x17: {  	s7 =	sadd.s32 $0xB00, s0;
	s9 =	simm.s32 $0x2;
	[dreg:$0x3] =	wrdreg s1  }
0x18: {  	s5 =	sshrl.u32 s10, $0x3;
	s8 =	ssub.s32 s4, s15;
	s10 =	simm.s32 $0x100  }
0x19: {  	v2 =	vlaneseq.u32;
	s15 =	simm.s32 $0x9100;
	s5 =	sadd.s32 s5, s0;
	s23 =	smax.u32 s8, $0x1  }
0x1a: {  	vm0 =	vmmov $0xffff;
	v1 =	vshrl.u32 v2, $0x3;
	s18 =	sadd.s32 $0x100800, s5;
	s5 =	sadd.s32 $0x900, s0;
	[dreg:$0x12] =	wrdreg s23  }
0x1b: {  	v0 =	vand.u32 $0x7, v2;
	v2 =	vor.u32 $0x8, v2;
	v1 =	vmul.u32 $0x8, v1;
	s23 =	simm.s32 $0xD100;
	[dreg:$0x11] =	wrdreg s18;
	s18 =	simm.s32 $0xA900  }
.LBB2_1:
0x1c: {  	s0 =	rddreg [dreg:$0x11]  }
0x1d: {  	[tilespmem:s2], [sflag:$0x2] =	stream.linear.gather [hbm4b:s0+s2], $0x100, $0x38;
	[tilespmem:$0x10100] =	vst v63  }
0x1e: {  	_ =	swait.ge [sflag:s9], $0x100  }
0x1f: {  	[sflag:s9] =	ssyncset.done $0x0  }
0x20: {  	s1 =	simm.s32 $0x0;
	s0 =	simm.s32 $0x20;
	[sflag:s9] =	ssyncadd.s32 $0xFFFFFF00  }
.LBB2_2:
0x21: {  	v3 =	vld [tilespmem:s0+$0xFFFFFFE0];
	_ =	sdelay $0x4  }
0x22: {  	v4 =	vshll.u32 v3, $0x3  }
0x23: {  	v3 =	vand.u32 $0x7, v3;
	v4 =	vand.u32 $0xFFFFFFC0, v4  }
0x24: {  	v3 =	vor.u32 v3, v4  }
0x25: {  	v4 =	vperm.xlane v3, v0;
	_ =	sdelay $0x1  }
0x26: {  	v4 =	vadd.s32 v1, v4;
	_ =	sdelay $0x4  }
0x27: {  	[tilespmem:s10], [sflag:$0x1] =	stream.indirect_vreg.gather [hbm4b:s3+s2], $0x80, v4, vm0, $0xb8;
	[tilespmem:$0x10100] =	vst v63  }
0x28: {  	s4 =	rddreg [dreg:$0x4];
	v3 =	vperm.xlane v3, v2  }
0x29: {  	[tilespmem:s4], [sflag:$0x1] =	stream.indirect_vreg.gather [hbm4b:s5+s2], $0x80, v4, vm0, $0xb8;
	[tilespmem:$0x10100] =	vst v63  }
0x2a: {  	s8 =	rddreg [dreg:$0x5];
	v3 =	vadd.s32 v1, v3  }
0x2b: {  	[tilespmem:s8], [sflag:$0x1] =	stream.indirect_vreg.gather [hbm4b:s6+s2], $0x80, v4, vm0, $0xb8;
	[tilespmem:$0x10100] =	vst v63  }
0x2c: {  	s4 =	rddreg [dreg:$0x6]  }
0x2d: {  	[tilespmem:s4], [sflag:$0x1] =	stream.indirect_vreg.gather [hbm4b:s7+s2], $0x80, v4, vm0, $0xb8;
	[tilespmem:$0x10100] =	vst v63  }
0x2e: {  	s8 =	rddreg [dreg:$0x7]  }
0x2f: {  	[tilespmem:s8], [sflag:$0x1] =	stream.indirect_vreg.gather [hbm4b:s3+s2], $0x80, v3, vm0, $0xb8;
	[tilespmem:$0x10100] =	vst v63  }
0x30: {  	s4 =	rddreg [dreg:$0x8]  }
0x31: {  	[tilespmem:s4], [sflag:$0x1] =	stream.indirect_vreg.gather [hbm4b:s5+s2], $0x80, v3, vm0, $0xb8;
	[tilespmem:$0x10100] =	vst v63  }
0x32: {  	s8 =	rddreg [dreg:$0x9]  }
0x33: {  	[tilespmem:s8], [sflag:$0x1] =	stream.indirect_vreg.gather [hbm4b:s6+s2], $0x80, v3, vm0, $0xb8;
	[tilespmem:$0x10100] =	vst v63  }
0x34: {  	s4 =	rddreg [dreg:$0xa]  }
0x35: {  	[tilespmem:s4], [sflag:$0x1] =	stream.indirect_vreg.gather [hbm4b:s7+s2], $0x80, v3, vm0, $0xb8;
	[tilespmem:$0x10100] =	vst v63  }
0x36: {  	v3 =	vld [tilespmem:s0+$0xFFFFFFF0];
	_ =	sdelay $0x4  }
0x37: {  	v61 =	vshll.u32 v3, $0x3  }
0x38: {  	v3 =	vand.u32 $0x7, v3;
	v4 =	vand.u32 $0xFFFFFFC0, v61  }
0x39: {  	v3 =	vor.u32 v3, v4  }
0x3a: {  	v4 =	vperm.xlane v3, v0;
	_ =	sdelay $0x1  }
0x3b: {  	v4 =	vadd.s32 v1, v4;
	_ =	sdelay $0x3  }
0x3c: {  	s4 =	rddreg [dreg:$0xb]  }
0x3d: {  	[tilespmem:s4], [sflag:$0x1] =	stream.indirect_vreg.gather [hbm4b:s3+s2], $0x80, v4, vm0, $0xb8;
	[tilespmem:$0x10100] =	vst v63  }
0x3e: {  	s8 =	rddreg [dreg:$0xc];
	v3 =	vperm.xlane v3, v2  }
0x3f: {  	[tilespmem:s8], [sflag:$0x1] =	stream.indirect_vreg.gather [hbm4b:s5+s2], $0x80, v4, vm0, $0xb8;
	[tilespmem:$0x10100] =	vst v63  }
0x40: {  	v3 =	vadd.s32 v1, v3;
	s4 =	rddreg [dreg:$0xd]  }
0x41: {  	[tilespmem:s4], [sflag:$0x1] =	stream.indirect_vreg.gather [hbm4b:s6+s2], $0x80, v4, vm0, $0xb8;
	[tilespmem:$0x10100] =	vst v63  }
0x42: {  	s8 =	rddreg [dreg:$0xe]  }
0x43: {  	[tilespmem:s8], [sflag:$0x1] =	stream.indirect_vreg.gather [hbm4b:s7+s2], $0x80, v4, vm0, $0xb8;
	[tilespmem:$0x10100] =	vst v63  }
0x44: {  	s4 =	rddreg [dreg:$0xf]  }
0x45: {  	[tilespmem:s4], [sflag:$0x1] =	stream.indirect_vreg.gather [hbm4b:s3+s2], $0x80, v3, vm0, $0xb8;
	[tilespmem:$0x10100] =	vst v63  }
0x46: {  	s8 =	rddreg [dreg:$0x10]  }
0x47: {  	[tilespmem:s8], [sflag:$0x1] =	stream.indirect_vreg.gather [hbm4b:s5+s2], $0x80, v3, vm0, $0xb8;
	[tilespmem:$0x10100] =	vst v63  }
0x48: {  	_ = 	snop  }
0x49: {  	[tilespmem:s11], [sflag:$0x1] =	stream.indirect_vreg.gather [hbm4b:s6+s2], $0x80, v3, vm0, $0xb8;
	[tilespmem:$0x10100] =	vst v63  }
0x4a: {  	_ = 	snop  }
0x4b: {  	[tilespmem:s12], [sflag:$0x1] =	stream.indirect_vreg.gather [hbm4b:s7+s2], $0x80, v3, vm0, $0xb8;
	[tilespmem:$0x10100] =	vst v63  }
0x4c: {  	v3 =	vld [tilespmem:s0+$0x0];
	_ =	sdelay $0x4  }
0x4d: {  	v62 =	vshll.u32 v3, $0x3  }
0x4e: {  	v3 =	vand.u32 $0x7, v3;
	v4 =	vand.u32 $0xFFFFFFC0, v62  }
0x4f: {  	v3 =	vor.u32 v3, v4  }
0x50: {  	v4 =	vperm.xlane v3, v0;
	_ =	sdelay $0x1  }
0x51: {  	v4 =	vadd.s32 v1, v4;
	_ =	sdelay $0x4  }
0x52: {  	[tilespmem:s13], [sflag:$0x1] =	stream.indirect_vreg.gather [hbm4b:s3+s2], $0x80, v4, vm0, $0xb8;
	[tilespmem:$0x10100] =	vst v63  }
0x53: {  	v3 =	vperm.xlane v3, v2  }
0x54: {  	[tilespmem:s14], [sflag:$0x1] =	stream.indirect_vreg.gather [hbm4b:s5+s2], $0x80, v4, vm0, $0xb8;
	[tilespmem:$0x10100] =	vst v63  }
0x55: {  	v3 =	vadd.s32 v1, v3  }
0x56: {  	[tilespmem:s15], [sflag:$0x1] =	stream.indirect_vreg.gather [hbm4b:s6+s2], $0x80, v4, vm0, $0xb8;
	[tilespmem:$0x10100] =	vst v63  }
0x57: {  	_ = 	snop  }
0x58: {  	[tilespmem:s16], [sflag:$0x1] =	stream.indirect_vreg.gather [hbm4b:s7+s2], $0x80, v4, vm0, $0xb8;
	[tilespmem:$0x10100] =	vst v63  }
0x59: {  	_ = 	snop  }
0x5a: {  	[tilespmem:s17], [sflag:$0x1] =	stream.indirect_vreg.gather [hbm4b:s3+s2], $0x80, v3, vm0, $0xb8;
	[tilespmem:$0x10100] =	vst v63  }
0x5b: {  	_ = 	snop  }
0x5c: {  	[tilespmem:s18], [sflag:$0x1] =	stream.indirect_vreg.gather [hbm4b:s5+s2], $0x80, v3, vm0, $0xb8;
	[tilespmem:$0x10100] =	vst v63  }
0x5d: {  	_ = 	snop  }
0x5e: {  	[tilespmem:s19], [sflag:$0x1] =	stream.indirect_vreg.gather [hbm4b:s6+s2], $0x80, v3, vm0, $0xb8;
	[tilespmem:$0x10100] =	vst v63  }
0x5f: {  	_ = 	snop  }
0x60: {  	[tilespmem:s20], [sflag:$0x1] =	stream.indirect_vreg.gather [hbm4b:s7+s2], $0x80, v3, vm0, $0xb8;
	[tilespmem:$0x10100] =	vst v63  }
0x61: {  	v3 =	vld [tilespmem:s0+$0x10];
	_ =	sdelay $0x4  }
0x62: {  	v63 =	vshll.u32 v3, $0x3  }
0x63: {  	v3 =	vand.u32 $0x7, v3;
	v4 =	vand.u32 $0xFFFFFFC0, v63  }
0x64: {  	v3 =	vor.u32 v3, v4  }
0x65: {  	v4 =	vperm.xlane v3, v0;
	_ =	sdelay $0x1  }
0x66: {  	v4 =	vadd.s32 v1, v4;
	_ =	sdelay $0x4  }
0x67: {  	[tilespmem:s21], [sflag:$0x1] =	stream.indirect_vreg.gather [hbm4b:s3+s2], $0x80, v4, vm0, $0xb8;
	[tilespmem:$0x10100] =	vst v63  }
0x68: {  	v3 =	vperm.xlane v3, v2  }
0x69: {  	[tilespmem:s22], [sflag:$0x1] =	stream.indirect_vreg.gather [hbm4b:s5+s2], $0x80, v4, vm0, $0xb8;
	[tilespmem:$0x10100] =	vst v63  }
0x6a: {  	v3 =	vadd.s32 v1, v3  }
0x6b: {  	[tilespmem:s23], [sflag:$0x1] =	stream.indirect_vreg.gather [hbm4b:s6+s2], $0x80, v4, vm0, $0xb8;
	[tilespmem:$0x10100] =	vst v63  }
0x6c: {  	_ = 	snop  }
0x6d: {  	[tilespmem:s24], [sflag:$0x1] =	stream.indirect_vreg.gather [hbm4b:s7+s2], $0x80, v4, vm0, $0xb8;
	[tilespmem:$0x10100] =	vst v63  }
0x6e: {  	_ = 	snop  }
0x6f: {  	[tilespmem:s25], [sflag:$0x1] =	stream.indirect_vreg.gather [hbm4b:s3+s2], $0x80, v3, vm0, $0xb8;
	[tilespmem:$0x10100] =	vst v63  }
0x70: {  	_ = 	snop  }
0x71: {  	[tilespmem:s26], [sflag:$0x1] =	stream.indirect_vreg.gather [hbm4b:s5+s2], $0x80, v3, vm0, $0xb8;
	[tilespmem:$0x10100] =	vst v63  }
0x72: {  	_ = 	snop  }
0x73: {  	[tilespmem:s28], [sflag:$0x1] =	stream.indirect_vreg.gather [hbm4b:s6+s2], $0x80, v3, vm0, $0xb8;
	[tilespmem:$0x10100] =	vst v63  }
0x74: {  	_ = 	snop  }
0x75: {  	[tilespmem:s29], [sflag:$0x1] =	stream.indirect_vreg.gather [hbm4b:s7+s2], $0x80, v3, vm0, $0xb8;
	[tilespmem:$0x10100] =	vst v63  }
0x76: {  	_ =	swait.ge [sflag:s30], $0x10000  }
0x77: {  	p0 =	sne.s32 s1, $0x6000;
	s8 =	rddreg [dreg:$0x3];
	[sflag:s30] =	ssyncset.done $0x0  }
.Ltmp0:
0x78: {  	[sflag:s30] =	ssyncadd.s32 $0xFFFF0000;
	s4 =	sadd.s32 s1, s8;
	(pc) =	sbr.rel @p0 .LBB2_2-.Ltmp0, $4  }
0x79: {  	[hbm4b:s4+s2] =	stream.linear.scatter [tilespmem:s10], [sflag:$0x2], $0x10000, $0x38;
	[tilespmem:$0x10100] =	vst v63  }
0x7a: {  	_ =	swait.ge [sflag:s9], $0x10000  }
0x7b: {  	[sflag:s9] =	ssyncset.done $0x0  }
0x7c: {  	s0 =	sadd.s32 $0x40, s0;
	s1 =	sadd.s32 $0x2000, s1;
	[sflag:s9] =	ssyncadd.s32 $0xFFFF0000  }
0x7d: {  	s31 =	sadd.s32 $0x1, s31;
	s0 =	rddreg [dreg:$0x12]  }
0x7e: {  	p0 =	sne.s32 s31, s0  }
.Ltmp1:
0x7f: {  	_ = 	snop;
	(pc) =	sbr.rel @p0 .LBB2_1-.Ltmp1, $1  }
0x80: {  	_ =	sdelay $0x3  }
0x81: {  	_ =	sfence.sel $0x180000  }
0x82: {  	[bflag:$0x0] =	sbarrier.arrive $0xFFFF  }
0x83: {  	_ =	strace $0x90000047  }
0x84: {  	s0 =	stileid.u32;
	[bflag:$0x2] =	sbarrier.arrive $0xFFFF  }
0x85: {  	p0 =	sne.s32 s0, $0x0;
	s0 =	rddreg [dreg:$0x2]  }
0x86: {  	s0 =	sadd.s32 @!p0 $0x100000, s0  }
0x87: {  	[sflag:s0] =	ssyncadd.tile.s32 @!p0 $0x1;
	_ =	shalt  }
.Lfunc_end2:
_tile_overlayer_lowered:
.L_overlay_start_2:
0x88: {  	(tag) =	ssettag $0x2  }
0x89: {  	s0 =	rddreg [dreg:$0x0];
	s2 =	stileid.u32  }
0x8a: {  	s1 =	rddreg [dreg:$0x1];
	p0 =	sne.s32 s2, $0x0  }
0x8b: {  	s3 =	rddreg [dreg:$0x2];
	[bflag:$0x3] =	sbarrier.arrive $0xFFFF;
	s2 =	simm.s32 @!p0 $0x1C02  }
0x8c: {  	[timem:s3], [sflag:s2] =	dma.local @!p0 [hbm:s0], s1  }
0x8d: {  	s0 =	simm.s32 @!p0 $0x2  }
0x8e: {  	_ =	swait.ge @!p0 [sflag:s0], s1  }
0x8f: {  	s1 =	ssub.s32 @!p0 $0x0, s1;
	[sflag:s0] =	ssyncset.done @!p0 $0x0  }
0x90: {  	[sflag:s0] =	ssyncadd.s32 @!p0 s1  }
0x91: {  	[bflag:$0x3] =	sbarrier.arrive $0xFFFF  }
0x92: {  	_ =	shalt  }

</sc_bundles>
